<compile_context>
chip_gen: v7x
topology: tpu7x:2x2x1
jax: 0.10.2.dev20260603
libtpu: 0.0.44.dev20260713+nightly
codegen_flags: <defaults>
</compile_context>

<pallas_src>
import functools
import jax
import jax.numpy as jnp
from jax import lax
from jax.experimental import pallas as pl
from jax.experimental.pallas import tpu as pltpu
from jax.experimental.pallas import tpu_sc as plsc

_MAXP = 128
_NPOS = 2 * _MAXP + 1
_D = 32
_NC = 2
_NS = 16


def _build_g(table, S):
    U = (2 * S - 1) // 4 + 1

    def body(table_ref, g_ref):
        t = table_ref[:, :]
        t0 = t[0:1, :]
        t_last = t[_NPOS - 1:_NPOS, :]

        def clamped(lo_pad, hi_pad):
            return jnp.concatenate(
                [jnp.broadcast_to(t0, (lo_pad, _D)), t,
                 jnp.broadcast_to(t_last, (hi_pad, _D))], axis=0)

        ts = jnp.concatenate(
            [clamped(4 - cc, 3 + cc) for cc in range(4)], axis=1)
        n_iota = jax.lax.broadcasted_iota(jnp.int32, (U, _NPOS + 7), 1)
        u_iota = jax.lax.broadcasted_iota(jnp.int32, (U, _NPOS + 7), 0)
        for p in range(4):
            n0 = jnp.clip(4 * u_iota + (p - (S - 1 - _MAXP) + 4), 0,
                          _NPOS + 3)
            onehot = (n_iota == n0).astype(jnp.float32)
            g_ref[p, :, :] = jax.lax.dot_general(
                onehot, ts, (((1,), (0,)), ((), ())),
                preferred_element_type=jnp.float32)

    return pl.pallas_call(
        body,
        out_shape=jax.ShapeDtypeStruct((4, U, 128), jnp.float32),
    )(table)


def _spread(g, S):
    W = S * _D // 128
    U = (2 * S - 1) // 4 + 1
    QW = S // (_NC * _NS)
    mesh = plsc.VectorSubcoreMesh(core_axis_name="c", subcore_axis_name="s")

    @functools.partial(
        pl.kernel,
        out_type=jax.ShapeDtypeStruct((S, W, 128), jnp.float32),
        mesh=mesh,
        scratch_types=[
            pltpu.VMEM_SHARED((4, U, 128), jnp.float32),
            pltpu.SemaphoreType.DMA,
        ],
    )
    def k(g_hbm, out_hbm, shared, sem):
        sid = lax.axis_index("s")

        @pl.when(sid == 0)
        def _load():
            pltpu.sync_copy(g_hbm, shared)

        plsc.subcore_barrier()

        wid = lax.axis_index("c") * _NS + sid
        base = wid * QW

        @pl.loop(0, QW // 4)
        def _fire(jj):
            for m in range(4):
                q = base + 4 * jj + m
                phase = (S - 1 - m) % 4
                e = (S - 1 - q - phase) // 4
                pltpu.make_async_copy(
                    shared.at[phase, pl.ds(e, W), :], out_hbm.at[q],
                    sem).start()

        @pl.loop(0, QW)
        def _drain(j):
            pltpu.make_async_copy(
                shared.at[0, pl.ds(0, W), :], out_hbm.at[0], sem).wait()

    return k(g)


def kernel(inputs, table):
    S = inputs.shape[1]
    g = _build_g(table, S)
    out = _spread(g, S)
    return out.reshape(S, S, _D)

# --- scband reference (transcript-rebuilt; emitter-appended) ---
"""Pipeline reference for scband-relative-position-embedding-25950192403131 (READ-ONLY COPY).

The authoritative reference and input builder live on the scoring server;
editing this copy changes nothing except your own understanding.
"""

import jax, jax.numpy as jnp
import numpy as np

INPUT_DIM = 257
OUTPUT_DIM = 32


def setup_inputs(seed: int = 0) -> dict:
    key = jax.random.key(seed)
    inputs = jax.random.normal(key, (2, 2048, 1024), dtype=jnp.float32)
    # embeddings_initializer='ones' per init_kwargs
    table = jnp.ones((INPUT_DIM, OUTPUT_DIM), dtype=jnp.float32)
    return {"inputs": inputs, "table": table}


def reference(inputs, table):
    # compute_position_ids: relative positions clamped to [-max_pos, max_pos]
    S = inputs.shape[1]
    q_idxs = jnp.arange(0, S, dtype=jnp.int32)[:, None]
    v_idxs = jnp.arange(0, S, dtype=jnp.int32)[None, :]
    pos_ids = v_idxs - q_idxs
    max_position = (INPUT_DIM - 1) // 2
    pos_ids = jnp.clip(pos_ids, -max_position, max_position)
    pos_ids = pos_ids + max_position
    # embedding lookup -> gather
    embeddings = jnp.take(table, pos_ids, axis=0)
    return embeddings

if __name__ == "__main__":
    import jax
    _d = setup_inputs()
    print(jax.jit(kernel)(*tuple(_d.values())))

</pallas_src>

<mosaic_0001>
#map = affine_map<(d0, d1) -> (0, 0, 0)>
module attributes {stable_mosaic.version = 14 : i64} {
  func.func @k(%arg0: i32, %arg1: i32, %arg2: memref<4x1024x128xf32, #tpu.memory_space<hbm>>, %arg3: memref<2048x512x128xf32, #tpu.memory_space<hbm>>, %arg4: memref<4x1024x128xf32, #tpu.memory_space<vmem_shared>>, %arg5: memref<!tpu.dma_semaphore, #tpu.memory_space<semaphore_mem>>) attributes {dimension_semantics = [#tpu.dimension_semantics<core_parallel>, #tpu.dimension_semantics<subcore_parallel>], iteration_bounds = array<i64: 2, 16>, scalar_prefetch = 0 : i64, scratch_operands = 2 : i64, tpu.core_type = #tpu.core_type<sc_vector_subcore>, window_params = [{transform_indices = #map}, {transform_indices = #map}]} {
    %eq3A = arith.constant 0 : i32
    %eq3A_0 = arith.cmpi eq, %arg1, %eq3A : i32
    %convert_element_type3A = arith.extui %eq3A_0 : i1 to i32
    %cond3A = arith.constant 0 : i32
    %cond3A_1 = arith.cmpi ne, %convert_element_type3A, %cond3A : i32
    scf.if %cond3A_1 {
      "tpu.region"() ({
        %run_scoped3A = tpu.sem_alloc : memref<!tpu.dma_semaphore, #tpu.memory_space<semaphore_mem>>
        tpu.enqueue_dma source(%arg2 : memref<4x1024x128xf32, #tpu.memory_space<hbm>>) target(%arg4 : memref<4x1024x128xf32, #tpu.memory_space<vmem_shared>>) target_semaphore(%run_scoped3A : memref<!tpu.dma_semaphore, #tpu.memory_space<semaphore_mem>>)
        tpu.wait_dma2 semaphore(%run_scoped3A : memref<!tpu.dma_semaphore, #tpu.memory_space<semaphore_mem>>) src(%arg2 : memref<4x1024x128xf32, #tpu.memory_space<hbm>>) dst(%arg4 : memref<4x1024x128xf32, #tpu.memory_space<vmem_shared>>)
        tpu.yield
      }) : () -> ()
    } else {
    }
    %barrier3A = arith.constant 0 : index
    tpu.barrier barrier_id(%barrier3A)
    %mul3A = arith.constant 16 : i32
    %mul3A_2 = arith.muli %arg0, %mul3A : i32
    %add3A = arith.addi %mul3A_2, %arg1 : i32
    %mul3A_3 = arith.constant 64 : i32
    %mul3A_4 = arith.muli %add3A, %mul3A_3 : i32
    %scan3A = arith.constant 0 : i32
    %scan3A_5 = arith.constant 16 : i32
    %scan3A_6 = arith.addi %scan3A, %scan3A_5 : i32
    %scan3A_7 = arith.constant 1 : i32
    scf.for %scan3A_14 = %scan3A to %scan3A_6 step %scan3A_7  : i32 {
      %mul3A_15 = arith.constant 1 : i32
      %mul3A_16 = arith.muli %scan3A_14, %mul3A_15 : i32
      %add3A_17 = arith.constant 0 : i32
      %add3A_18 = arith.addi %add3A_17, %mul3A_16 : i32
      %mul3A_19 = arith.constant 4 : i32
      %mul3A_20 = arith.muli %mul3A_19, %add3A_18 : i32
      %add3A_21 = arith.addi %mul3A_4, %mul3A_20 : i32
      %add3A_22 = arith.constant 0 : i32
      %add3A_23 = arith.addi %add3A_21, %add3A_22 : i32
      %sub3A = arith.constant 2047 : i32
      %sub3A_24 = arith.subi %sub3A, %add3A_23 : i32
      %sub3A_25 = arith.constant 3 : i32
      %sub3A_26 = arith.subi %sub3A_24, %sub3A_25 : i32
      %jit3A = arith.constant 4 : i32
      %div3A = arith.divsi %sub3A_26, %jit3A : i32
      %sign3A = arith.constant 0 : i32
      %sign3A_27 = arith.cmpi sgt, %sub3A_26, %sign3A : i32
      %sign3A_28 = arith.extui %sign3A_27 : i1 to i32
      %sign3A_29 = arith.constant 0 : i32
      %sign3A_30 = arith.cmpi slt, %sub3A_26, %sign3A_29 : i32
      %sign3A_31 = arith.extui %sign3A_30 : i1 to i32
      %sign3A_32 = arith.subi %sign3A_28, %sign3A_31 : i32
      %sign3A_33 = arith.constant 0 : i32
      %sign3A_34 = arith.cmpi sgt, %jit3A, %sign3A_33 : i32
      %sign3A_35 = arith.extui %sign3A_34 : i1 to i32
      %sign3A_36 = arith.constant 0 : i32
      %sign3A_37 = arith.cmpi slt, %jit3A, %sign3A_36 : i32
      %sign3A_38 = arith.extui %sign3A_37 : i1 to i32
      %sign3A_39 = arith.subi %sign3A_35, %sign3A_38 : i32
      %ne3A = arith.cmpi ne, %sign3A_32, %sign3A_39 : i32
      %rem3A = arith.remsi %sub3A_26, %jit3A : i32
      %ne3A_40 = arith.constant 0 : i32
      %ne3A_41 = arith.cmpi ne, %rem3A, %ne3A_40 : i32
      %and3A = arith.andi %ne3A, %ne3A_41 : i1
      %sub3A_42 = arith.constant 1 : i32
      %sub3A_43 = arith.subi %div3A, %sub3A_42 : i32
      %select_n3A = arith.select %and3A, %sub3A_43, %div3A : i32
      %dma_start3A = arith.constant 3 : i32
      %dma_start3A_44 = arith.constant 0 : i32
      %dma_start3A_45 = arith.constant 0 : i32
      %dma_start3A_46 = tpu.memref_slice %arg3[%add3A_23, %dma_start3A_44, %dma_start3A_45] : memref<2048x512x128xf32, #tpu.memory_space<hbm>> -> memref<1x512x128xf32, #tpu.memory_space<hbm>>
      %dma_start3A_47 = tpu.memref_squeeze %dma_start3A_46 : memref<1x512x128xf32, #tpu.memory_space<hbm>> -> memref<512x128xf32, #tpu.memory_space<hbm>>
      %dma_start3A_48 = arith.constant 0 : i32
      %dma_start3A_49 = tpu.memref_slice %arg4[%dma_start3A, %select_n3A, %dma_start3A_48] : memref<4x1024x128xf32, #tpu.memory_space<vmem_shared>> -> memref<1x512x128xf32, #tpu.memory_space<vmem_shared>>
      %dma_start3A_50 = tpu.memref_squeeze %dma_start3A_49 : memref<1x512x128xf32, #tpu.memory_space<vmem_shared>> -> memref<512x128xf32, #tpu.memory_space<vmem_shared>>
      tpu.enqueue_dma source(%dma_start3A_50 : memref<512x128xf32, #tpu.memory_space<vmem_shared>>) target(%dma_start3A_47 : memref<512x128xf32, #tpu.memory_space<hbm>>) target_semaphore(%arg5 : memref<!tpu.dma_semaphore, #tpu.memory_space<semaphore_mem>>)
      %mul3A_51 = arith.constant 4 : i32
      %mul3A_52 = arith.muli %mul3A_51, %add3A_18 : i32
      %add3A_53 = arith.addi %mul3A_4, %mul3A_52 : i32
      %add3A_54 = arith.constant 1 : i32
      %add3A_55 = arith.addi %add3A_53, %add3A_54 : i32
      %sub3A_56 = arith.constant 2047 : i32
      %sub3A_57 = arith.subi %sub3A_56, %add3A_55 : i32
      %sub3A_58 = arith.constant 2 : i32
      %sub3A_59 = arith.subi %sub3A_57, %sub3A_58 : i32
      %jit3A_60 = arith.constant 4 : i32
      %div3A_61 = arith.divsi %sub3A_59, %jit3A_60 : i32
      %sign3A_62 = arith.constant 0 : i32
      %sign3A_63 = arith.cmpi sgt, %sub3A_59, %sign3A_62 : i32
      %sign3A_64 = arith.extui %sign3A_63 : i1 to i32
      %sign3A_65 = arith.constant 0 : i32
      %sign3A_66 = arith.cmpi slt, %sub3A_59, %sign3A_65 : i32
      %sign3A_67 = arith.extui %sign3A_66 : i1 to i32
      %sign3A_68 = arith.subi %sign3A_64, %sign3A_67 : i32
      %sign3A_69 = arith.constant 0 : i32
      %sign3A_70 = arith.cmpi sgt, %jit3A_60, %sign3A_69 : i32
      %sign3A_71 = arith.extui %sign3A_70 : i1 to i32
      %sign3A_72 = arith.constant 0 : i32
      %sign3A_73 = arith.cmpi slt, %jit3A_60, %sign3A_72 : i32
      %sign3A_74 = arith.extui %sign3A_73 : i1 to i32
      %sign3A_75 = arith.subi %sign3A_71, %sign3A_74 : i32
      %ne3A_76 = arith.cmpi ne, %sign3A_68, %sign3A_75 : i32
      %rem3A_77 = arith.remsi %sub3A_59, %jit3A_60 : i32
      %ne3A_78 = arith.constant 0 : i32
      %ne3A_79 = arith.cmpi ne, %rem3A_77, %ne3A_78 : i32
      %and3A_80 = arith.andi %ne3A_76, %ne3A_79 : i1
      %sub3A_81 = arith.constant 1 : i32
      %sub3A_82 = arith.subi %div3A_61, %sub3A_81 : i32
      %select_n3A_83 = arith.select %and3A_80, %sub3A_82, %div3A_61 : i32
      %dma_start3A_84 = arith.constant 2 : i32
      %dma_start3A_85 = arith.constant 0 : i32
      %dma_start3A_86 = arith.constant 0 : i32
      %dma_start3A_87 = tpu.memref_slice %arg3[%add3A_55, %dma_start3A_85, %dma_start3A_86] : memref<2048x512x128xf32, #tpu.memory_space<hbm>> -> memref<1x512x128xf32, #tpu.memory_space<hbm>>
      %dma_start3A_88 = tpu.memref_squeeze %dma_start3A_87 : memref<1x512x128xf32, #tpu.memory_space<hbm>> -> memref<512x128xf32, #tpu.memory_space<hbm>>
      %dma_start3A_89 = arith.constant 0 : i32
      %dma_start3A_90 = tpu.memref_slice %arg4[%dma_start3A_84, %select_n3A_83, %dma_start3A_89] : memref<4x1024x128xf32, #tpu.memory_space<vmem_shared>> -> memref<1x512x128xf32, #tpu.memory_space<vmem_shared>>
      %dma_start3A_91 = tpu.memref_squeeze %dma_start3A_90 : memref<1x512x128xf32, #tpu.memory_space<vmem_shared>> -> memref<512x128xf32, #tpu.memory_space<vmem_shared>>
      tpu.enqueue_dma source(%dma_start3A_91 : memref<512x128xf32, #tpu.memory_space<vmem_shared>>) target(%dma_start3A_88 : memref<512x128xf32, #tpu.memory_space<hbm>>) target_semaphore(%arg5 : memref<!tpu.dma_semaphore, #tpu.memory_space<semaphore_mem>>)
      %mul3A_92 = arith.constant 4 : i32
      %mul3A_93 = arith.muli %mul3A_92, %add3A_18 : i32
      %add3A_94 = arith.addi %mul3A_4, %mul3A_93 : i32
      %add3A_95 = arith.constant 2 : i32
      %add3A_96 = arith.addi %add3A_94, %add3A_95 : i32
      %sub3A_97 = arith.constant 2047 : i32
      %sub3A_98 = arith.subi %sub3A_97, %add3A_96 : i32
      %sub3A_99 = arith.constant 1 : i32
      %sub3A_100 = arith.subi %sub3A_98, %sub3A_99 : i32
      %jit3A_101 = arith.constant 4 : i32
      %div3A_102 = arith.divsi %sub3A_100, %jit3A_101 : i32
      %sign3A_103 = arith.constant 0 : i32
      %sign3A_104 = arith.cmpi sgt, %sub3A_100, %sign3A_103 : i32
      %sign3A_105 = arith.extui %sign3A_104 : i1 to i32
      %sign3A_106 = arith.constant 0 : i32
      %sign3A_107 = arith.cmpi slt, %sub3A_100, %sign3A_106 : i32
      %sign3A_108 = arith.extui %sign3A_107 : i1 to i32
      %sign3A_109 = arith.subi %sign3A_105, %sign3A_108 : i32
      %sign3A_110 = arith.constant 0 : i32
      %sign3A_111 = arith.cmpi sgt, %jit3A_101, %sign3A_110 : i32
      %sign3A_112 = arith.extui %sign3A_111 : i1 to i32
      %sign3A_113 = arith.constant 0 : i32
      %sign3A_114 = arith.cmpi slt, %jit3A_101, %sign3A_113 : i32
      %sign3A_115 = arith.extui %sign3A_114 : i1 to i32
      %sign3A_116 = arith.subi %sign3A_112, %sign3A_115 : i32
      %ne3A_117 = arith.cmpi ne, %sign3A_109, %sign3A_116 : i32
      %rem3A_118 = arith.remsi %sub3A_100, %jit3A_101 : i32
      %ne3A_119 = arith.constant 0 : i32
      %ne3A_120 = arith.cmpi ne, %rem3A_118, %ne3A_119 : i32
      %and3A_121 = arith.andi %ne3A_117, %ne3A_120 : i1
      %sub3A_122 = arith.constant 1 : i32
      %sub3A_123 = arith.subi %div3A_102, %sub3A_122 : i32
      %select_n3A_124 = arith.select %and3A_121, %sub3A_123, %div3A_102 : i32
      %dma_start3A_125 = arith.constant 1 : i32
      %dma_start3A_126 = arith.constant 0 : i32
      %dma_start3A_127 = arith.constant 0 : i32
      %dma_start3A_128 = tpu.memref_slice %arg3[%add3A_96, %dma_start3A_126, %dma_start3A_127] : memref<2048x512x128xf32, #tpu.memory_space<hbm>> -> memref<1x512x128xf32, #tpu.memory_space<hbm>>
      %dma_start3A_129 = tpu.memref_squeeze %dma_start3A_128 : memref<1x512x128xf32, #tpu.memory_space<hbm>> -> memref<512x128xf32, #tpu.memory_space<hbm>>
      %dma_start3A_130 = arith.constant 0 : i32
      %dma_start3A_131 = tpu.memref_slice %arg4[%dma_start3A_125, %select_n3A_124, %dma_start3A_130] : memref<4x1024x128xf32, #tpu.memory_space<vmem_shared>> -> memref<1x512x128xf32, #tpu.memory_space<vmem_shared>>
      %dma_start3A_132 = tpu.memref_squeeze %dma_start3A_131 : memref<1x512x128xf32, #tpu.memory_space<vmem_shared>> -> memref<512x128xf32, #tpu.memory_space<vmem_shared>>
      tpu.enqueue_dma source(%dma_start3A_132 : memref<512x128xf32, #tpu.memory_space<vmem_shared>>) target(%dma_start3A_129 : memref<512x128xf32, #tpu.memory_space<hbm>>) target_semaphore(%arg5 : memref<!tpu.dma_semaphore, #tpu.memory_space<semaphore_mem>>)
      %mul3A_133 = arith.constant 4 : i32
      %mul3A_134 = arith.muli %mul3A_133, %add3A_18 : i32
      %add3A_135 = arith.addi %mul3A_4, %mul3A_134 : i32
      %add3A_136 = arith.constant 3 : i32
      %add3A_137 = arith.addi %add3A_135, %add3A_136 : i32
      %sub3A_138 = arith.constant 2047 : i32
      %sub3A_139 = arith.subi %sub3A_138, %add3A_137 : i32
      %sub3A_140 = arith.constant 0 : i32
      %sub3A_141 = arith.subi %sub3A_139, %sub3A_140 : i32
      %jit3A_142 = arith.constant 4 : i32
      %div3A_143 = arith.divsi %sub3A_141, %jit3A_142 : i32
      %sign3A_144 = arith.constant 0 : i32
      %sign3A_145 = arith.cmpi sgt, %sub3A_141, %sign3A_144 : i32
      %sign3A_146 = arith.extui %sign3A_145 : i1 to i32
      %sign3A_147 = arith.constant 0 : i32
      %sign3A_148 = arith.cmpi slt, %sub3A_141, %sign3A_147 : i32
      %sign3A_149 = arith.extui %sign3A_148 : i1 to i32
      %sign3A_150 = arith.subi %sign3A_146, %sign3A_149 : i32
      %sign3A_151 = arith.constant 0 : i32
      %sign3A_152 = arith.cmpi sgt, %jit3A_142, %sign3A_151 : i32
      %sign3A_153 = arith.extui %sign3A_152 : i1 to i32
      %sign3A_154 = arith.constant 0 : i32
      %sign3A_155 = arith.cmpi slt, %jit3A_142, %sign3A_154 : i32
      %sign3A_156 = arith.extui %sign3A_155 : i1 to i32
      %sign3A_157 = arith.subi %sign3A_153, %sign3A_156 : i32
      %ne3A_158 = arith.cmpi ne, %sign3A_150, %sign3A_157 : i32
      %rem3A_159 = arith.remsi %sub3A_141, %jit3A_142 : i32
      %ne3A_160 = arith.constant 0 : i32
      %ne3A_161 = arith.cmpi ne, %rem3A_159, %ne3A_160 : i32
      %and3A_162 = arith.andi %ne3A_158, %ne3A_161 : i1
      %sub3A_163 = arith.constant 1 : i32
      %sub3A_164 = arith.subi %div3A_143, %sub3A_163 : i32
      %select_n3A_165 = arith.select %and3A_162, %sub3A_164, %div3A_143 : i32
      %dma_start3A_166 = arith.constant 0 : i32
      %dma_start3A_167 = arith.constant 0 : i32
      %dma_start3A_168 = arith.constant 0 : i32
      %dma_start3A_169 = tpu.memref_slice %arg3[%add3A_137, %dma_start3A_167, %dma_start3A_168] : memref<2048x512x128xf32, #tpu.memory_space<hbm>> -> memref<1x512x128xf32, #tpu.memory_space<hbm>>
      %dma_start3A_170 = tpu.memref_squeeze %dma_start3A_169 : memref<1x512x128xf32, #tpu.memory_space<hbm>> -> memref<512x128xf32, #tpu.memory_space<hbm>>
      %dma_start3A_171 = arith.constant 0 : i32
      %dma_start3A_172 = tpu.memref_slice %arg4[%dma_start3A_166, %select_n3A_165, %dma_start3A_171] : memref<4x1024x128xf32, #tpu.memory_space<vmem_shared>> -> memref<1x512x128xf32, #tpu.memory_space<vmem_shared>>
      %dma_start3A_173 = tpu.memref_squeeze %dma_start3A_172 : memref<1x512x128xf32, #tpu.memory_space<vmem_shared>> -> memref<512x128xf32, #tpu.memory_space<vmem_shared>>
      tpu.enqueue_dma source(%dma_start3A_173 : memref<512x128xf32, #tpu.memory_space<vmem_shared>>) target(%dma_start3A_170 : memref<512x128xf32, #tpu.memory_space<hbm>>) target_semaphore(%arg5 : memref<!tpu.dma_semaphore, #tpu.memory_space<semaphore_mem>>)
    }
    %scan3A_8 = arith.constant 16 : i32
    %scan3A_9 = arith.constant 0 : i32
    %scan3A_10 = arith.constant 64 : i32
    %scan3A_11 = arith.addi %scan3A_9, %scan3A_10 : i32
    %scan3A_12 = arith.constant 1 : i32
    scf.for %scan3A_14 = %scan3A_9 to %scan3A_11 step %scan3A_12  : i32 {
      %mul3A_15 = arith.constant 1 : i32
      %mul3A_16 = arith.muli %scan3A_14, %mul3A_15 : i32
      %add3A_17 = arith.constant 0 : i32
      %add3A_18 = arith.addi %add3A_17, %mul3A_16 : i32
      %dma_wait3A = arith.constant 0 : i32
      %dma_wait3A_19 = arith.constant 0 : i32
      %dma_wait3A_20 = arith.constant 0 : i32
      %dma_wait3A_21 = arith.constant 0 : i32
      %dma_wait3A_22 = tpu.memref_slice %arg3[%dma_wait3A_19, %dma_wait3A_20, %dma_wait3A_21] : memref<2048x512x128xf32, #tpu.memory_space<hbm>> -> memref<1x512x128xf32, #tpu.memory_space<hbm>>
      %dma_wait3A_23 = tpu.memref_squeeze %dma_wait3A_22 : memref<1x512x128xf32, #tpu.memory_space<hbm>> -> memref<512x128xf32, #tpu.memory_space<hbm>>
      %dma_wait3A_24 = arith.constant 0 : i32
      %dma_wait3A_25 = arith.constant 0 : i32
      %dma_wait3A_26 = tpu.memref_slice %arg4[%dma_wait3A, %dma_wait3A_24, %dma_wait3A_25] : memref<4x1024x128xf32, #tpu.memory_space<vmem_shared>> -> memref<1x512x128xf32, #tpu.memory_space<vmem_shared>>
      %dma_wait3A_27 = tpu.memref_squeeze %dma_wait3A_26 : memref<1x512x128xf32, #tpu.memory_space<vmem_shared>> -> memref<512x128xf32, #tpu.memory_space<vmem_shared>>
      tpu.wait_dma2 semaphore(%arg5 : memref<!tpu.dma_semaphore, #tpu.memory_space<semaphore_mem>>) src(%dma_wait3A_27 : memref<512x128xf32, #tpu.memory_space<vmem_shared>>) dst(%dma_wait3A_23 : memref<512x128xf32, #tpu.memory_space<hbm>>)
    }
    %scan3A_13 = arith.constant 64 : i32
    return
  }
}

module attributes {stable_mosaic.version = 14 : i64} {
  func.func @body(%arg0: memref<257x32xf32, #tpu.memory_space<vmem>>, %arg1: memref<4x1024x128xf32, #tpu.memory_space<vmem>>) attributes {dimension_semantics = [], scalar_prefetch = 0 : i64, scratch_operands = 0 : i64, tpu.core_type = #tpu.core_type<tc>} {
    %get3A = arith.constant 0 : index
    %get3A_0 = arith.constant 0 : index
    %get3A_1 = vector.load %arg0[%get3A, %get3A_0] : memref<257x32xf32, #tpu.memory_space<vmem>>, vector<257x32xf32>
    %slice3A = vector.extract_strided_slice %get3A_1 {offsets = [0, 0], sizes = [1, 32], strides = [1, 1]} : vector<257x32xf32> to vector<1x32xf32>
    %slice3A_2 = vector.extract_strided_slice %get3A_1 {offsets = [256, 0], sizes = [1, 32], strides = [1, 1]} : vector<257x32xf32> to vector<1x32xf32>
    %broadcast_in_dim3A = vector.shape_cast %slice3A : vector<1x32xf32> to vector<1x32xf32>
    %broadcast_in_dim3A_3 = vector.broadcast %broadcast_in_dim3A : vector<1x32xf32> to vector<4x32xf32>
    %broadcast_in_dim3A_4 = vector.shape_cast %slice3A_2 : vector<1x32xf32> to vector<1x32xf32>
    %broadcast_in_dim3A_5 = vector.broadcast %broadcast_in_dim3A_4 : vector<1x32xf32> to vector<3x32xf32>
    %concatenate3A = tpu.concatenate %broadcast_in_dim3A_3, %get3A_1, %broadcast_in_dim3A_5 in 0 : vector<4x32xf32>, vector<257x32xf32>, vector<3x32xf32> -> vector<264x32xf32>
    %broadcast_in_dim3A_6 = vector.shape_cast %slice3A : vector<1x32xf32> to vector<1x32xf32>
    %broadcast_in_dim3A_7 = vector.broadcast %broadcast_in_dim3A_6 : vector<1x32xf32> to vector<3x32xf32>
    %broadcast_in_dim3A_8 = vector.shape_cast %slice3A_2 : vector<1x32xf32> to vector<1x32xf32>
    %broadcast_in_dim3A_9 = vector.broadcast %broadcast_in_dim3A_8 : vector<1x32xf32> to vector<4x32xf32>
    %concatenate3A_10 = tpu.concatenate %broadcast_in_dim3A_7, %get3A_1, %broadcast_in_dim3A_9 in 0 : vector<3x32xf32>, vector<257x32xf32>, vector<4x32xf32> -> vector<264x32xf32>
    %broadcast_in_dim3A_11 = vector.shape_cast %slice3A : vector<1x32xf32> to vector<1x32xf32>
    %broadcast_in_dim3A_12 = vector.broadcast %broadcast_in_dim3A_11 : vector<1x32xf32> to vector<2x32xf32>
    %broadcast_in_dim3A_13 = vector.shape_cast %slice3A_2 : vector<1x32xf32> to vector<1x32xf32>
    %broadcast_in_dim3A_14 = vector.broadcast %broadcast_in_dim3A_13 : vector<1x32xf32> to vector<5x32xf32>
    %concatenate3A_15 = tpu.concatenate %broadcast_in_dim3A_12, %get3A_1, %broadcast_in_dim3A_14 in 0 : vector<2x32xf32>, vector<257x32xf32>, vector<5x32xf32> -> vector<264x32xf32>
    %broadcast_in_dim3A_16 = vector.shape_cast %slice3A_2 : vector<1x32xf32> to vector<1x32xf32>
    %broadcast_in_dim3A_17 = vector.broadcast %broadcast_in_dim3A_16 : vector<1x32xf32> to vector<6x32xf32>
    %concatenate3A_18 = tpu.concatenate %slice3A, %get3A_1, %broadcast_in_dim3A_17 in 0 : vector<1x32xf32>, vector<257x32xf32>, vector<6x32xf32> -> vector<264x32xf32>
    %concatenate3A_19 = tpu.concatenate %concatenate3A, %concatenate3A_10, %concatenate3A_15, %concatenate3A_18 in 1 : vector<264x32xf32>, vector<264x32xf32>, vector<264x32xf32>, vector<264x32xf32> -> vector<264x128xf32>
    %iota3A = tpu.iota {dimensions = array<i32: 1>} : vector<1024x264xi32>
    %iota3A_20 = tpu.iota {dimensions = array<i32: 0>} : vector<1024x264xi32>
    %mul3A = arith.constant 4 : i32
    %mul3A_21 = vector.broadcast %mul3A : i32 to vector<1024x264xi32>
    %mul3A_22 = arith.muli %mul3A_21, %iota3A_20 : vector<1024x264xi32>
    %add3A = arith.constant -1915 : i32
    %add3A_23 = vector.broadcast %add3A : i32 to vector<1024x264xi32>
    %add3A_24 = arith.addi %mul3A_22, %add3A_23 : vector<1024x264xi32>
    %jit3A = arith.constant 0 : i32
    %jit3A_25 = arith.constant 260 : i32
    %max3A = vector.broadcast %jit3A : i32 to vector<1024x264xi32>
    %max3A_26 = arith.maxsi %max3A, %add3A_24 : vector<1024x264xi32>
    %min3A = vector.broadcast %jit3A_25 : i32 to vector<1024x264xi32>
    %min3A_27 = arith.minsi %min3A, %max3A_26 : vector<1024x264xi32>
    %eq3A = arith.cmpi eq, %iota3A, %min3A_27 : vector<1024x264xi32>
    %convert_element_type3A = arith.extui %eq3A : vector<1024x264xi1> to vector<1024x264xi32>
    %convert_element_type3A_28 = arith.sitofp %convert_element_type3A : vector<1024x264xi32> to vector<1024x264xf32>
    %dot_general3A = arith.constant dense<0.000000e+00> : vector<1024x128xf32>
    %dot_general3A_29 = tpu.matmul %convert_element_type3A_28, %concatenate3A_19, %dot_general3A {dimension_numbers = #tpu.dot_dimension_numbers<[1], [0], [0], [1], [0, 0, 1, 1], [], []>, transpose_lhs_hint = false} : vector<1024x264xf32>, vector<264x128xf32>, vector<1024x128xf32> -> vector<1024x128xf32>
    %swap3A = arith.constant 0 : index
    %swap3A_30 = arith.constant 0 : index
    %swap3A_31 = arith.constant 0 : index
    %swap3A_32 = vector.load %arg1[%swap3A, %swap3A_30, %swap3A_31] : memref<4x1024x128xf32, #tpu.memory_space<vmem>>, vector<1x1024x128xf32>
    %swap3A_33 = vector.shape_cast %swap3A_32 : vector<1x1024x128xf32> to vector<1024x128xf32>
    %swap3A_34 = vector.shape_cast %dot_general3A_29 : vector<1024x128xf32> to vector<1x1024x128xf32>
    tpu.vector_store %arg1[%swap3A, %swap3A_30, %swap3A_31], %swap3A_34 {strides = array<i32>} : memref<4x1024x128xf32, #tpu.memory_space<vmem>>, vector<1x1024x128xf32>,
    %mul3A_35 = arith.constant 4 : i32
    %mul3A_36 = vector.broadcast %mul3A_35 : i32 to vector<1024x264xi32>
    %mul3A_37 = arith.muli %mul3A_36, %iota3A_20 : vector<1024x264xi32>
    %add3A_38 = arith.constant -1914 : i32
    %add3A_39 = vector.broadcast %add3A_38 : i32 to vector<1024x264xi32>
    %add3A_40 = arith.addi %mul3A_37, %add3A_39 : vector<1024x264xi32>
    %jit3A_41 = arith.constant 0 : i32
    %jit3A_42 = arith.constant 260 : i32
    %max3A_43 = vector.broadcast %jit3A_41 : i32 to vector<1024x264xi32>
    %max3A_44 = arith.maxsi %max3A_43, %add3A_40 : vector<1024x264xi32>
    %min3A_45 = vector.broadcast %jit3A_42 : i32 to vector<1024x264xi32>
    %min3A_46 = arith.minsi %min3A_45, %max3A_44 : vector<1024x264xi32>
    %eq3A_47 = arith.cmpi eq, %iota3A, %min3A_46 : vector<1024x264xi32>
    %convert_element_type3A_48 = arith.extui %eq3A_47 : vector<1024x264xi1> to vector<1024x264xi32>
    %convert_element_type3A_49 = arith.sitofp %convert_element_type3A_48 : vector<1024x264xi32> to vector<1024x264xf32>
    %dot_general3A_50 = arith.constant dense<0.000000e+00> : vector<1024x128xf32>
    %dot_general3A_51 = tpu.matmul %convert_element_type3A_49, %concatenate3A_19, %dot_general3A_50 {dimension_numbers = #tpu.dot_dimension_numbers<[1], [0], [0], [1], [0, 0, 1, 1], [], []>, transpose_lhs_hint = false} : vector<1024x264xf32>, vector<264x128xf32>, vector<1024x128xf32> -> vector<1024x128xf32>
    %swap3A_52 = arith.constant 1 : index
    %swap3A_53 = arith.constant 0 : index
    %swap3A_54 = arith.constant 0 : index
    %swap3A_55 = vector.load %arg1[%swap3A_52, %swap3A_53, %swap3A_54] : memref<4x1024x128xf32, #tpu.memory_space<vmem>>, vector<1x1024x128xf32>
    %swap3A_56 = vector.shape_cast %swap3A_55 : vector<1x1024x128xf32> to vector<1024x128xf32>
    %swap3A_57 = vector.shape_cast %dot_general3A_51 : vector<1024x128xf32> to vector<1x1024x128xf32>
    tpu.vector_store %arg1[%swap3A_52, %swap3A_53, %swap3A_54], %swap3A_57 {strides = array<i32>} : memref<4x1024x128xf32, #tpu.memory_space<vmem>>, vector<1x1024x128xf32>,
    %mul3A_58 = arith.constant 4 : i32
    %mul3A_59 = vector.broadcast %mul3A_58 : i32 to vector<1024x264xi32>
    %mul3A_60 = arith.muli %mul3A_59, %iota3A_20 : vector<1024x264xi32>
    %add3A_61 = arith.constant -1913 : i32
    %add3A_62 = vector.broadcast %add3A_61 : i32 to vector<1024x264xi32>
    %add3A_63 = arith.addi %mul3A_60, %add3A_62 : vector<1024x264xi32>
    %jit3A_64 = arith.constant 0 : i32
    %jit3A_65 = arith.constant 260 : i32
    %max3A_66 = vector.broadcast %jit3A_64 : i32 to vector<1024x264xi32>
    %max3A_67 = arith.maxsi %max3A_66, %add3A_63 : vector<1024x264xi32>
    %min3A_68 = vector.broadcast %jit3A_65 : i32 to vector<1024x264xi32>
    %min3A_69 = arith.minsi %min3A_68, %max3A_67 : vector<1024x264xi32>
    %eq3A_70 = arith.cmpi eq, %iota3A, %min3A_69 : vector<1024x264xi32>
    %convert_element_type3A_71 = arith.extui %eq3A_70 : vector<1024x264xi1> to vector<1024x264xi32>
    %convert_element_type3A_72 = arith.sitofp %convert_element_type3A_71 : vector<1024x264xi32> to vector<1024x264xf32>
    %dot_general3A_73 = arith.constant dense<0.000000e+00> : vector<1024x128xf32>
    %dot_general3A_74 = tpu.matmul %convert_element_type3A_72, %concatenate3A_19, %dot_general3A_73 {dimension_numbers = #tpu.dot_dimension_numbers<[1], [0], [0], [1], [0, 0, 1, 1], [], []>, transpose_lhs_hint = false} : vector<1024x264xf32>, vector<264x128xf32>, vector<1024x128xf32> -> vector<1024x128xf32>
    %swap3A_75 = arith.constant 2 : index
    %swap3A_76 = arith.constant 0 : index
    %swap3A_77 = arith.constant 0 : index
    %swap3A_78 = vector.load %arg1[%swap3A_75, %swap3A_76, %swap3A_77] : memref<4x1024x128xf32, #tpu.memory_space<vmem>>, vector<1x1024x128xf32>
    %swap3A_79 = vector.shape_cast %swap3A_78 : vector<1x1024x128xf32> to vector<1024x128xf32>
    %swap3A_80 = vector.shape_cast %dot_general3A_74 : vector<1024x128xf32> to vector<1x1024x128xf32>
    tpu.vector_store %arg1[%swap3A_75, %swap3A_76, %swap3A_77], %swap3A_80 {strides = array<i32>} : memref<4x1024x128xf32, #tpu.memory_space<vmem>>, vector<1x1024x128xf32>,
    %mul3A_81 = arith.constant 4 : i32
    %mul3A_82 = vector.broadcast %mul3A_81 : i32 to vector<1024x264xi32>
    %mul3A_83 = arith.muli %mul3A_82, %iota3A_20 : vector<1024x264xi32>
    %add3A_84 = arith.constant -1912 : i32
    %add3A_85 = vector.broadcast %add3A_84 : i32 to vector<1024x264xi32>
    %add3A_86 = arith.addi %mul3A_83, %add3A_85 : vector<1024x264xi32>
    %jit3A_87 = arith.constant 0 : i32
    %jit3A_88 = arith.constant 260 : i32
    %max3A_89 = vector.broadcast %jit3A_87 : i32 to vector<1024x264xi32>
    %max3A_90 = arith.maxsi %max3A_89, %add3A_86 : vector<1024x264xi32>
    %min3A_91 = vector.broadcast %jit3A_88 : i32 to vector<1024x264xi32>
    %min3A_92 = arith.minsi %min3A_91, %max3A_90 : vector<1024x264xi32>
    %eq3A_93 = arith.cmpi eq, %iota3A, %min3A_92 : vector<1024x264xi32>
    %convert_element_type3A_94 = arith.extui %eq3A_93 : vector<1024x264xi1> to vector<1024x264xi32>
    %convert_element_type3A_95 = arith.sitofp %convert_element_type3A_94 : vector<1024x264xi32> to vector<1024x264xf32>
    %dot_general3A_96 = arith.constant dense<0.000000e+00> : vector<1024x128xf32>
    %dot_general3A_97 = tpu.matmul %convert_element_type3A_95, %concatenate3A_19, %dot_general3A_96 {dimension_numbers = #tpu.dot_dimension_numbers<[1], [0], [0], [1], [0, 0, 1, 1], [], []>, transpose_lhs_hint = false} : vector<1024x264xf32>, vector<264x128xf32>, vector<1024x128xf32> -> vector<1024x128xf32>
    %swap3A_98 = arith.constant 3 : index
    %swap3A_99 = arith.constant 0 : index
    %swap3A_100 = arith.constant 0 : index
    %swap3A_101 = vector.load %arg1[%swap3A_98, %swap3A_99, %swap3A_100] : memref<4x1024x128xf32, #tpu.memory_space<vmem>>, vector<1x1024x128xf32>
    %swap3A_102 = vector.shape_cast %swap3A_101 : vector<1x1024x128xf32> to vector<1024x128xf32>
    %swap3A_103 = vector.shape_cast %dot_general3A_97 : vector<1024x128xf32> to vector<1x1024x128xf32>
    tpu.vector_store %arg1[%swap3A_98, %swap3A_99, %swap3A_100], %swap3A_103 {strides = array<i32>} : memref<4x1024x128xf32, #tpu.memory_space<vmem>>, vector<1x1024x128xf32>,
    return
  }
}

</mosaic_0001>

<sc_bundles>
// kernel: kernel.4.cloned.1.call-start
scs
__scs_entry_jumppad:
0x0: {  	(pc) =	sbr.rel $0x88, $3  }
0x1: {  	(tag) =	ssettag $0x0;
	lr =	simm.s32 $0x1  }
0x2: {  	[smem:$0x3FA0] =	sst lr;
	_ =	strace $0xD0000000  }
0x3: {  	_ = 	snop  }
0x4: {  	_ = 	snop  }
0x5: {  	_ = 	snop  }
0x6: {  	_ = 	snop  }
0x7: {  	_ = 	snop  }
__scs_overlays_trampoline_lowered:
0x8: {  	[smem:$0x3FAF] =	sst s0  }
0x9: {  	[smem:$0x3FB0] =	sst s1  }
0xa: {  	[smem:$0x3FB1] =	sst s2  }
0xb: {  	[smem:$0x3FB2] =	sst s3  }
0xc: {  	[smem:$0x3FB3] =	sst s4  }
0xd: {  	[smem:$0x3FB4] =	sst s5  }
0xe: {  	[smem:$0x3FB5] =	sst s6  }
0xf: {  	[smem:$0x3FB6] =	sst s7  }
0x10: {  	[smem:$0x3FB7] =	sst s8  }
0x11: {  	[smem:$0x3FB8] =	sst s9;
	s0 =	simm.s32 @!p0 $0x0  }
0x12: {  	s1 =	sld [smem:$0x3F9E];
	s0 =	simm.s32 @p0 $0x1  }
0x13: {  	[smem:$0x3FB9] =	sst s0;
	s0 =	simm.s32 @!p1 $0x0  }
0x14: {  	s2 =	sld [smem:$0x3F9D];
	s0 =	simm.s32 @p1 $0x1  }
0x15: {  	[smem:$0x3FBA] =	sst s0;
	s0 =	simm.s32 @!p2 $0x0  }
0x16: {  	s3 =	sld [smem:$0x3FDB];
	s0 =	simm.s32 @p2 $0x1  }
0x17: {  	s4 =	simm.s32 $0x1BF5;
	[smem:$0x3FBC] =	sst s0  }
0x18: {  	s0 =	sld [smem:$0x3F9F];
	_ =	swait.ge [sflag:s4], $0x0  }
0x19: {  	s7 =	sld [smem:$0x3FA0]  }
0x1a: {  	s8 =	sadd.s32 $0xFFFFE003, lr  }
0x1b: {  	s9 =	sadd.s32 $0xFFFFFEF7, lr;
	s5 =	simm.s32 $0xFFFFFFFF;
	p2 =	slt.u32 s8, $0xFFFFF086  }
0x1c: {  	p1 =	slt.u32 s9, $0xF7A;
	s5 =	simm.s32 @!p2 $0x0  }
0x1d: {  	s5 =	simm.s32 @p1 $0x1;
	p0 =	seq.s32 s7, s2  }
0x1e: {  	s7 =	smul.u32 @!p0 $0xF7A, s2;
	p2 =	seq.s32 @!p0 s5, $0x0  }
0x1f: {  	s9 =	smul.u32 $0xF7A, s1;
	s8 =	simm.s32 @!p0 $0x1BF5;
	p2 =	por !p2, p0  }
0x20: {  	[sflag:s8] =	ssyncset.s32 @!p0 $0xFFFFF086;
	s6 =	sadd.s32 @!p0 s3, s7;
	s7 =	simm.s32 @!p0 $0x108  }
0x21: {  	s3 =	sadd.s32 s3, s9;
	s6 =	sadd.s32 @!p0 $0x88, s6;
	s7 =	simm.s32 @p2 $0x1082  }
0x22: {  	[simem:s7], [sflag:s8] =	dma.local @!p0 [hbm:s6], $0xF7A  }
0x23: {  	s9 =	sor.u32 $0xD0000000, s2;
	s6 =	simm.s32 $0x108;
	_ =	swait.ge @!p0 [sflag:s8], $0x0  }
0x24: {  	s3 =	sadd.s32 $0x88, s3;
	s6 =	simm.s32 @!p1 $0x1082;
	[sflag:s4] =	ssyncset.s32 $0xFFFFF086  }
0x25: {  	[simem:s6], [sflag:s4] =	dma.local [hbm:s3], $0xF7A  }
0x26: {  	[smem:$0x3FA0] =	sst s1;
	(tag) =	ssettag s2;
	_ =	strace s9  }
0x27: {  	s1 =	sld [smem:$0x3FB0]  }
0x28: {  	s2 =	sld [smem:$0x3FB1]  }
0x29: {  	s4 =	sld [smem:$0x3FB3]  }
0x2a: {  	p0 =	seq.s32 s5, $0x0;
	s5 =	sld [smem:$0x3FB4]  }
0x2b: {  	s6 =	sld [smem:$0x3FB5]  }
0x2c: {  	s7 =	sld [smem:$0x3FB6]  }
0x2d: {  	s3 =	simm.s32 $0x108;
	s8 =	sld [smem:$0x3FB7]  }
0x2e: {  	s3 =	simm.s32 @!p0 $0x1082;
	s9 =	sld [smem:$0x3FB8]  }
0x2f: {  	lr =	sadd.s32 s0, s3;
	s0 =	sld [smem:$0x3FAF]  }
0x30: {  	s3 =	sld [smem:$0x3FB2]  }
0x31: {  	[smem:$0x3FBB] =	sst s10  }
0x32: {  	s10 =	sld [smem:$0x3FB9];
	_ =	sdelay $0x3  }
0x33: {  	p0 =	seq.s32 s10, $0x1;
	s10 =	sld [smem:$0x3FBB];
	_ =	sdelay $0x3  }
0x34: {  	[smem:$0x3FBB] =	sst s10  }
0x35: {  	s10 =	sld [smem:$0x3FBA];
	_ =	sdelay $0x3  }
0x36: {  	p1 =	seq.s32 s10, $0x1;
	s10 =	sld [smem:$0x3FBB];
	_ =	sdelay $0x3  }
0x37: {  	[smem:$0x3FBB] =	sst s10  }
0x38: {  	s10 =	sld [smem:$0x3FBC]  }
0x39: {  	_ = 	snop;
	(pc) =	sbr.ind lr, $3  }
0x3a: {  	_ = 	snop  }
0x3b: {  	_ = 	snop  }
0x3c: {  	p2 =	seq.s32 s10, $0x1;
	s10 =	sld [smem:$0x3FBB]  }
0x3d: {  	_ =	shalt  }
0x3e: {  	_ =	shalt  }
0x3f: {  	_ =	shalt  }
0x40: {  	_ =	shalt  }
0x41: {  	_ =	shalt  }
0x42: {  	_ =	shalt  }
0x43: {  	_ =	shalt  }
0x44: {  	_ =	shalt  }
0x45: {  	_ =	shalt  }
0x46: {  	_ =	shalt  }
0x47: {  	_ =	shalt  }
0x48: {  	_ =	shalt  }
0x49: {  	_ =	shalt  }
0x4a: {  	_ =	shalt  }
0x4b: {  	_ =	shalt  }
0x4c: {  	_ =	shalt  }
0x4d: {  	_ =	shalt  }
0x4e: {  	_ =	shalt  }
0x4f: {  	_ =	shalt  }
0x50: {  	_ =	shalt  }
0x51: {  	_ =	shalt  }
0x52: {  	_ =	shalt  }
0x53: {  	_ =	shalt  }
0x54: {  	_ =	shalt  }
0x55: {  	_ =	shalt  }
0x56: {  	_ =	shalt  }
0x57: {  	_ =	shalt  }
0x58: {  	_ =	shalt  }
0x59: {  	_ =	shalt  }
0x5a: {  	_ =	shalt  }
0x5b: {  	_ =	shalt  }
0x5c: {  	_ =	shalt  }
0x5d: {  	_ =	shalt  }
0x5e: {  	_ =	shalt  }
0x5f: {  	_ =	shalt  }
0x60: {  	_ =	shalt  }
0x61: {  	_ =	shalt  }
0x62: {  	_ =	shalt  }
0x63: {  	_ =	shalt  }
0x64: {  	_ =	shalt  }
0x65: {  	_ =	shalt  }
0x66: {  	_ =	shalt  }
0x67: {  	_ =	shalt  }
0x68: {  	_ =	shalt  }
0x69: {  	_ =	shalt  }
0x6a: {  	_ =	shalt  }
0x6b: {  	_ =	shalt  }
0x6c: {  	_ =	shalt  }
0x6d: {  	_ =	shalt  }
0x6e: {  	_ =	shalt  }
0x6f: {  	_ =	shalt  }
0x70: {  	_ =	shalt  }
0x71: {  	_ =	shalt  }
0x72: {  	_ =	shalt  }
0x73: {  	_ =	shalt  }
0x74: {  	_ =	shalt  }
0x75: {  	_ =	shalt  }
0x76: {  	_ =	shalt  }
0x77: {  	_ =	shalt  }
0x78: {  	_ =	shalt  }
0x79: {  	_ =	shalt  }
0x7a: {  	_ =	shalt  }
0x7b: {  	_ =	shalt  }
0x7c: {  	_ =	shalt  }
0x7d: {  	_ =	shalt  }
0x7e: {  	_ =	shalt  }
0x7f: {  	_ =	shalt  }
0x80: {  	_ =	shalt  }
0x81: {  	_ =	shalt  }
0x82: {  	_ =	shalt  }
0x83: {  	_ =	shalt  }
0x84: {  	_ =	shalt  }
0x85: {  	_ =	shalt  }
0x86: {  	_ =	shalt  }
0x87: {  	_ =	shalt  }
.Lfunc_end0:
.L_simem_size_0:
called_computation.1_lowered:
.L_overlay_start_0:
0x88: {  	s2 =	sld [smem:$0x3FD9]  }
0x89: {  	s3 =	sld [smem:$0x3FFE];
	_ =	sdelay $0x1  }
0x8a: {  	s1 =	srdreg.scid  }
0x8b: {  	s0 =	sand.u32 $0x1, s1  }
0x8c: {  	s17 =	sshll.u32 s0, $0xA;
	s2 =	sadd.s32 s3, s2  }
0x8d: {  	s2 =	sadd.s32 s2, s17  }
0x8e: {  	[smem:$0x3FC7] =	sst s2  }
0x8f: {  	_ = 	snop  }
0x90: {  	s2 =	sld [smem:$0x3FD0];
	(tm) =	ssettm $0x1  }
0x91: {  	s18 =	sld [smem:$0x3FFB];
	_ =	sdelay $0x3  }
0x92: {  	_ =	strace s18  }
0x93: {  	s3 =	sld [smem:$0x3FFC];
	_ =	sdelay $0x3  }
0x94: {  	_ =	strace s3  }
0x95: {  	s3 =	sld [smem:$0x3FFD];
	_ =	sdelay $0x3  }
0x96: {  	_ =	strace s3  }
0x97: {  	_ =	strace $0x8FFFFFFF  }
0x98: {  	s19 =	sld [smem:$0x3FDB];
	_ =	sdelay $0x1  }
0x99: {  	s4 =	simm.s32 $_scs_section_size  }
0x9a: {  	s5 =	simm.s32 $_size__tile_overlayer_lowered;
	s6 =	simm.s32 $_tile_overlayer_lowered  }
0x9b: {  	s22 =	simm.s32 $0x1BFF;
	s21 =	sshll.u32 s6, $0x1;
	s3 =	sadd.s32 s4, s19  }
0x9c: {  	s7 =	simm.s32 $0x0;
	s20 =	sshll.u32 s5, $0x1;
	s5 =	sadd.s32 s21, s3  }
0x9d: {  	[timem:s7], [sflag:s22] =	dma.local [hbm:s5], s20  }
0x9e: {  	_ =	swait.ge [sflag:s22], s20  }
0x9f: {  	s4 =	ssub.s32 $0x0, s20;
	[sflag:s22] =	ssyncset.done $0x0  }
0xa0: {  	[sflag:s22] =	ssyncadd.s32 s4;
	_ =	sdelay $0x1  }
0xa1: {  	s23 =	simm.s32 $0x1B8B  }
0xa2: {  	_ =	swait.ge [sflag:s23], $0x1  }
0xa3: {  	[sflag:s23] =	ssyncset.done $0x0  }
0xa4: {  	s25 =	simm.s32 $0x1B8E;
	s24 =	sld [smem:$0x3FFE];
	[sflag:s23] =	ssyncadd.s32 $0xFFFFFFFF  }
0xa5: {  	s26 =	simm.s32 $execute0_lowered;
	[smem:$0x3FD2] =	sst s25  }
0xa6: {  	s5 =	sshll.u32 s26, $0x1;
	_ =	strace $0x80000046;
	[dreg:$0x1] =	wrdreg $0xFFFFFFFF  }
0xa7: {  	s28 =	simm.s32 $_size_execute0_lowered;
	s3 =	sadd.s32 s3, s5;
	[dreg:$0x0] =	wrdreg $0x0  }
0xa8: {  	s5 =	sshll.u32 s28, $0x1;
	[dreg:$0x2] =	wrdreg s3  }
0xa9: {  	[dreg:$0x3] =	wrdreg s5  }
0xaa: {  	[dreg:$0x4] =	wrdreg $0xC0  }
0xab: {  	_ =	task [dreg:s7], $0x5FFFF  }
0xac: {  	[dreg:$0x1] =	wrdreg $0xFFFFFFFF  }
0xad: {  	[dreg:$0x0] =	wrdreg $0x60  }
0xae: {  	[dreg:$0x2] =	wrdreg s24  }
0xaf: {  	[dreg:$0x3] =	wrdreg s2  }
0xb0: {  	[dreg:$0x4] =	wrdreg $0x0  }
0xb1: {  	[dreg:$0x5] =	wrdreg $0x9  }
0xb2: {  	_ =	task.clear_ibuf [dreg:s7], $0x6FFFF;
	_ =	strace $0x90000046  }
0xb3: {  	s29 =	simm.s32 $0x9;
	_ =	strace $0x80000048  }
0xb4: {  	_ =	swait.ge [sflag:s29], $0x1  }
0xb5: {  	[sflag:s29] =	ssyncadd.s32 $0xFFFFFFFF  }
0xb6: {  	_ =	strace $0x90000048  }
0xb7: {  	_ =	sfence  }
0xb8: {  	s30 =	sld [smem:$0x0];
	_ =	sdelay $0x2  }
0xb9: {  	s31 =	sshll.u32 s1, $0xD;
	s1 =	sshrl.u32 s1, $0x2  }
0xba: {  	s3 =	sand.u32 $0x4000, s31;
	s1 =	sadd.s32 s1, s30  }
0xbb: {  	s0 =	sor.u32 s3, s0;
	s1 =	sshll.u32 s1, $0x11  }
0xbc: {  	s0 =	sor.u32 s1, s0  }
0xbd: {  	s0 =	sadd.s32 $0x8F2B, s0  }
0xbe: {  	[sflag:s0] =	ssyncadd.remote.s32 $0x1  }
0xbf: {  	_ =	sfence.sel $0xFFFF  }
0xc0: {  	[dreg:$0x0] =	wrdreg $0xFFFFFFFF;
	(pc) =	sbr.abs _section_cstart, $3  }
0xc1: {  	[dreg:$0x1] =	wrdreg $0xFFFFFFFF  }
0xc2: {  	_ =	task.clear_ibuf [dreg:s7], $0x2FFFF;
	_ =	strace $0x9FFFFFFF  }
0xc3: {  	(tm) =	ssettm $0x7FFFFFFF  }
tec
execute0_lowered:
.L_overlay_start_1:
0x0: {  	(tag) =	ssettag $0x1  }
0x1: {  	s2 =	rddreg [dreg:$0x0]  }
0x2: {  	s3 =	rddreg [dreg:$0x1]  }
0x3: {  	s6 =	rddreg [dreg:$0x2]  }
0x4: {  	s0 =	rddreg [dreg:$0x3]  }
0x5: {  	s1 =	simm.s32 $0x0;
	s4 =	srdreg.scid;
	s7 =	stileid.u32  }
0x6: {  	[smem:$0x7FF] =	sst s1;
	s4 =	sand.u32 $0x1, s4;
	s8 =	sshll.u32 s7, $0xD  }
0x7: {  	s2 =	sadd.s32 $0xA00, s2;
	s10 =	sshll.u32 s7, $0x13;
	p0 =	sne.s32 s7, $0x0  }
0x8: {  	s7 =	sshll.u32 s7, $0x6;
	_ =	strace $0x80000047;
	s5 =	ssub.s32 $0x2, s4  }
0x9: {  	s9 =	sshll.u32 s4, $0x11;
	s4 =	sshll.u32 s4, $0x17;
	s7 =	sor.u32 $0x1C01, s7  }
0xa: {  	s8 =	sor.u32 s9, s8;
	s29 =	sshrl.u32 s5, $0x1;
	s30 =	sadd.s32 s4, s3  }
0xb: {  	s5 =	ssub.s32 s5, s29;
	s8 =	ssub.s32 $0x0, s8;
	s31 =	sadd.s32 s10, s30  }
0xc: {  	s8 =	sshra.s32 s8, $0x2;
	s3 =	smax.u32 s5, $0x1;
	s5 =	sadd.s32 $0x6000, s31  }
0xd: {  	s4 =	sadd.s32 s8, s6;
	s6 =	sshrl.u32 @!p0 s6, $0x3;
	s8 =	simm.s32 $0x1  }
.LBB2_1:
0xe: {  	s9 =	simm.s32 @!p0 $0x1C02  }
0xf: {  	[spmem:s6], [sflag:s9] =	dma.local @!p0 [hbm:s2], $0x10000  }
0x10: {  	s31 =	sadd.s32 $0xFFFFE000, s5;
	s10 =	sadd.s32 $0xFFFFA000, s5;
	s9 =	simm.s32 @!p0 $0x2  }
0x11: {  	s12 =	sadd.s32 $0x0, s4;
	s11 =	sadd.s32 $0xFFFFC000, s5;
	_ =	swait.ge @!p0 [sflag:s9], $0x10000  }
0x12: {  	s13 =	sadd.s32 $0x6FF80, s12;
	s14 =	sadd.s32 $0x4FF80, s12;
	[sflag:s9] =	ssyncset.done @!p0 $0x0  }
0x13: {  	s15 =	sadd.s32 $0x2FF80, s12;
	s13 =	sshrl.u32 s13, $0x3;
	[sflag:s9] =	ssyncadd.s32 @!p0 $0xFFFF0000  }
0x14: {  	s14 =	sshrl.u32 s14, $0x3;
	s15 =	sshrl.u32 s15, $0x3;
	[bflag:$0x0] =	sbarrier.arrive $0xFFFF  }
0x15: {  	[hbm:s10], [sflag:s7] =	dma.local [spmem:s13], $0x2000  }
0x16: {  	[hbm:s11], [sflag:s7] =	dma.local [spmem:s14], $0x2000  }
0x17: {  	s9 =	simm.s32 $0xFFFFFE00;
	s10 =	smov.u32 s5;
	s11 =	smov.u32 s5  }
0x18: {  	[hbm:s31], [sflag:s7] =	dma.local [spmem:s15], $0x2000  }
.LBB2_2:
0x19: {  	p1 =	sne.s32 s9, $0xFFFFE200;
	s12 =	sadd.s32 $0xFF80, s12;
	s11 =	sadd.s32 $0x8000, s11  }
0x1a: {  	s13 =	smov.u32 s9;
	s9 =	sadd.s32 $0xFFFFFE00, s9;
	s12 =	sshrl.u32 s12, $0x3  }
0x1b: {  	[hbm:s10], [sflag:s7] =	dma.local [spmem:s12], $0x2000  }
0x1c: {  	s10 =	smov.u32 s11;
	s12 =	sshra.s32 s13, $0x2  }
0x1d: {  	s13 =	sadd.s32 $0xFFFFE000, s11;
	s12 =	sadd.s32 s12, s4  }
0x1e: {  	s14 =	sadd.s32 $0xFFFFA000, s11;
	s15 =	sadd.s32 $0xFFFFC000, s11;
	s16 =	sadd.s32 $0x6FF80, s12  }
.Ltmp0:
0x1f: {  	s17 =	sadd.s32 $0x4FF80, s12;
	s18 =	sadd.s32 $0x2FF80, s12;
	(pc) =	sbr.rel @p1 .LBB2_2-.Ltmp0, $4  }
0x20: {  	s16 =	sshrl.u32 s16, $0x3;
	s17 =	sshrl.u32 s17, $0x3;
	s18 =	sshrl.u32 s18, $0x3  }
0x21: {  	[hbm:s14], [sflag:s7] =	dma.local [spmem:s16], $0x2000  }
0x22: {  	[hbm:s15], [sflag:s7] =	dma.local [spmem:s17], $0x2000  }
0x23: {  	[hbm:s13], [sflag:s7] =	dma.local [spmem:s18], $0x2000  }
0x24: {  	s9 =	sadd.s32 $0xFF80, s12  }
0x25: {  	s9 =	sshrl.u32 s9, $0x3  }
0x26: {  	[hbm:s10], [sflag:s7] =	dma.local [spmem:s9], $0x2000  }
0x27: {  	_ =	swait.ge [sflag:s8], $0x2000  }
0x28: {  	s9 =	simm.s32 $0x3F;
	[sflag:s8] =	ssyncset.done $0x0  }
.LBB2_4:
0x29: {  	p1 =	sne.s32 s9, $0x1;
	s9 =	sadd.s32 $0xFFFFFFFF, s9;
	[sflag:s8] =	ssyncadd.s32 $0xFFFFE000  }
.Ltmp1:
0x2a: {  	(pc) =	sbr.rel @p1 .LBB2_4-.Ltmp1, $3  }
0x2b: {  	_ =	sdelay $0x1  }
0x2c: {  	_ =	swait.ge [sflag:s8], $0x2000  }
0x2d: {  	[sflag:s8] =	ssyncset.done $0x0  }
0x2e: {  	s1 =	sadd.s32 $0x1, s1  }
0x2f: {  	p1 =	sne.s32 s1, s3  }
.Ltmp2:
0x30: {  	_ = 	snop;
	(pc) =	sbr.rel @p1 .LBB2_1-.Ltmp2, $2  }
0x31: {  	_ =	sdelay $0x2  }
0x32: {  	[sflag:s8] =	ssyncadd.s32 $0xFFFFE000  }
0x33: {  	_ =	sfence.sel $0x180000  }
0x34: {  	[bflag:$0x0] =	sbarrier.arrive $0xFFFF  }
0x35: {  	_ =	strace $0x90000047  }
0x36: {  	s0 =	sadd.s32 @!p0 $0x100000, s0;
	[bflag:$0x2] =	sbarrier.arrive $0xFFFF  }
0x37: {  	[sflag:s0] =	ssyncadd.tile.s32 @!p0 $0x1;
	_ =	shalt  }
.Lfunc_end2:
_tile_overlayer_lowered:
.L_overlay_start_2:
0x38: {  	(tag) =	ssettag $0x2  }
0x39: {  	s0 =	rddreg [dreg:$0x0];
	s2 =	stileid.u32  }
0x3a: {  	s1 =	rddreg [dreg:$0x1];
	p0 =	sne.s32 s2, $0x0  }
0x3b: {  	s3 =	rddreg [dreg:$0x2];
	[bflag:$0x3] =	sbarrier.arrive $0xFFFF;
	s2 =	simm.s32 @!p0 $0x1C02  }
0x3c: {  	[timem:s3], [sflag:s2] =	dma.local @!p0 [hbm:s0], s1  }
0x3d: {  	s0 =	simm.s32 @!p0 $0x2  }
0x3e: {  	_ =	swait.ge @!p0 [sflag:s0], s1  }
0x3f: {  	s1 =	ssub.s32 @!p0 $0x0, s1;
	[sflag:s0] =	ssyncset.done @!p0 $0x0  }
0x40: {  	[sflag:s0] =	ssyncadd.s32 @!p0 s1  }
0x41: {  	[bflag:$0x3] =	sbarrier.arrive $0xFFFF  }
0x42: {  	_ =	shalt  }

// kernel: sparse-core-data-format-call.cloned.1.call-start
scs
called_computation_lowered:
.L_overlay_start_0:
0x0: {  	s2 =	sld [smem:$0x3FD9]  }
0x1: {  	s3 =	sld [smem:$0x3FFE];
	_ =	sdelay $0x1  }
0x2: {  	s1 =	srdreg.scid  }
0x3: {  	s0 =	sand.u32 $0x1, s1  }
0x4: {  	s18 =	sshll.u32 s0, $0xA;
	s2 =	sadd.s32 s3, s2  }
0x5: {  	s2 =	sadd.s32 s2, s18  }
0x6: {  	[smem:$0x3FC7] =	sst s2  }
0x7: {  	_ = 	snop  }
0x8: {  	s2 =	sld [smem:$0x3FD0];
	(tm) =	ssettm $0x1  }
0x9: {  	s19 =	sld [smem:$0x3FFB];
	_ =	sdelay $0x3  }
0xa: {  	_ =	strace s19  }
0xb: {  	s3 =	sld [smem:$0x3FFC];
	_ =	sdelay $0x3  }
0xc: {  	_ =	strace s3  }
0xd: {  	s3 =	sld [smem:$0x3FFD];
	_ =	sdelay $0x3  }
0xe: {  	_ =	strace s3  }
0xf: {  	_ =	strace $0x8FFFFFFF  }
0x10: {  	s20 =	sld [smem:$0x3FDB];
	_ =	sdelay $0x1  }
0x11: {  	s4 =	simm.s32 $_scs_section_size  }
0x12: {  	s5 =	simm.s32 $_size__tile_overlayer_lowered;
	s6 =	simm.s32 $_tile_overlayer_lowered  }
0x13: {  	s23 =	simm.s32 $0x1BFF;
	s22 =	sshll.u32 s6, $0x1;
	s3 =	sadd.s32 s4, s20  }
0x14: {  	s7 =	simm.s32 $0x0;
	s21 =	sshll.u32 s5, $0x1;
	s5 =	sadd.s32 s22, s3  }
0x15: {  	[timem:s7], [sflag:s23] =	dma.local [hbm:s5], s21  }
0x16: {  	_ =	swait.ge [sflag:s23], s21  }
0x17: {  	s4 =	ssub.s32 $0x0, s21;
	[sflag:s23] =	ssyncset.done $0x0  }
0x18: {  	[sflag:s23] =	ssyncadd.s32 s4;
	_ =	sdelay $0x1  }
0x19: {  	s24 =	simm.s32 $0x1B8B  }
0x1a: {  	_ =	swait.ge [sflag:s24], $0x1  }
0x1b: {  	[sflag:s24] =	ssyncset.done $0x0  }
0x1c: {  	s26 =	simm.s32 $0x1B8E;
	s25 =	sld [smem:$0x3FFE];
	[sflag:s24] =	ssyncadd.s32 $0xFFFFFFFF  }
0x1d: {  	s27 =	simm.s32 $execute0_lowered;
	[smem:$0x3FD2] =	sst s26  }
0x1e: {  	s5 =	sshll.u32 s27, $0x1;
	_ =	strace $0x80000049;
	[dreg:$0x1] =	wrdreg $0xFFFFFFFF  }
0x1f: {  	s28 =	simm.s32 $_size_execute0_lowered;
	s3 =	sadd.s32 s3, s5;
	[dreg:$0x0] =	wrdreg $0x0  }
0x20: {  	s5 =	sshll.u32 s28, $0x1;
	[dreg:$0x2] =	wrdreg s3  }
0x21: {  	[dreg:$0x3] =	wrdreg s5  }
0x22: {  	[dreg:$0x4] =	wrdreg $0xC0  }
0x23: {  	_ =	task [dreg:s7], $0x5FFFF  }
0x24: {  	[dreg:$0x1] =	wrdreg $0xFFFFFFFF  }
0x25: {  	[dreg:$0x0] =	wrdreg $0x60  }
0x26: {  	[dreg:$0x2] =	wrdreg s25  }
0x27: {  	[dreg:$0x3] =	wrdreg s2  }
0x28: {  	[dreg:$0x4] =	wrdreg $0x9  }
0x29: {  	_ =	task.clear_ibuf [dreg:s7], $0x5FFFF;
	_ =	strace $0x90000049  }
0x2a: {  	s29 =	simm.s32 $0x9;
	_ =	strace $0x8000004B  }
0x2b: {  	_ =	swait.ge [sflag:s29], $0x1  }
0x2c: {  	[sflag:s29] =	ssyncadd.s32 $0xFFFFFFFF  }
0x2d: {  	_ =	strace $0x9000004B  }
0x2e: {  	_ =	sfence  }
0x2f: {  	s30 =	sld [smem:$0x0];
	_ =	sdelay $0x2  }
0x30: {  	s31 =	sshll.u32 s1, $0xD;
	s1 =	sshrl.u32 s1, $0x2  }
0x31: {  	s3 =	sand.u32 $0x4000, s31;
	s1 =	sadd.s32 s1, s30  }
0x32: {  	s0 =	sor.u32 s3, s0;
	s1 =	sshll.u32 s1, $0x11  }
0x33: {  	s0 =	sor.u32 s1, s0  }
0x34: {  	s0 =	sadd.s32 $0x8F2B, s0  }
0x35: {  	[sflag:s0] =	ssyncadd.remote.s32 $0x1  }
0x36: {  	_ =	sfence.sel $0xFFFF  }
0x37: {  	[dreg:$0x0] =	wrdreg $0xFFFFFFFF;
	(pc) =	sbr.abs _section_cstart, $3  }
0x38: {  	[dreg:$0x1] =	wrdreg $0xFFFFFFFF  }
0x39: {  	_ =	task.clear_ibuf [dreg:s7], $0x2FFFF;
	_ =	strace $0x9FFFFFFF  }
0x3a: {  	(tm) =	ssettm $0x7FFFFFFF  }
0x3b: {  	_ =	shalt  }
tec
execute0_lowered:
.L_overlay_start_1:
0x0: {  	(tag) =	ssettag $0x1  }
0x1: {  	s0 =	stileid.u32  }
0x2: {  	s2 =	srdreg.scid;
	s5 =	rddreg [dreg:$0x0]  }
0x3: {  	s6 =	simm.s32 $0x1;
	s31 =	simm.s32 $0x2;
	s14 =	simm.s32 $0x0  }
0x4: {  	s9 =	simm.s32 $0x10000;
	s16 =	simm.s32 $0x0;
	s1 =	sshll.u32 s0, $0x7  }
0x5: {  	s15 =	simm.s32 $0x0;
	s10 =	simm.s32 $0x0;
	s3 =	ssub.s32 $0x800, s1  }
0x6: {  	s13 =	simm.s32 $0x0;
	s2 =	sand.u32 $0x1, s2;
	s4 =	sand.u32 $0x780, s3  }
0x7: {  	s5 =	sadd.s32 $0xA00, s5;
	s7 =	ssub.s32 $0x20, s2;
	p0 =	sne.s32 s4, $0x0  }
0x8: {  	s3 =	sshrl.u32 s3, $0xB;
	s8 =	sshrl.u32 s7, $0x1;
	s6 =	simm.s32 @!p0 $0x0  }
.Ltmp0:
0x9: {  	s7 =	ssub.s32 s7, s8;
	s6 =	sadd.s32 s6, s3;
	(pc) =	sbr.rel .LBB1_1-.Ltmp0, $4  }
0xa: {  	s11 =	smov.u32 s2;
	s4 =	rddreg [dreg:$0x1];
	s7 =	smul.u32 s6, s7  }
0xb: {  	s3 =	rddreg [dreg:$0x2];
	_ =	strace $0x8000004A;
	s6 =	simm.s32 $0x1  }
0xc: {  	s12 =	smov.u32 s1;
	[sflag:s6] =	ssyncpa.u1 $0x0;
	s7 =	sshll.u32 s7, $0x4  }
0xd: {  	p0 =	por $0x0, $0x0;
	[sflag:s31] =	ssyncpa.u1 $0x0;
	s8 =	sor.u32 $0x1, s7  }
.LBB1_4:
0xe: {  	v5 =	vld [tilespmem:s19+$0xFFFFFFD0];
	[tilespmem:s20+$0x2040 ss:$0x81] =	vst.msk $0xffff, v1  }
0xf: {  	v58 =	vld [tilespmem:s19+$0xFFFFFFE0];
	[tilespmem:s20+$0x2850 ss:$0x81] =	vst.msk $0xffff, v2  }
0x10: {  	s21 =	sshra.s32 s21, $0x2;
	v59 =	vld [tilespmem:s19+$0xFFFFFFF0];
	[tilespmem:s20+$0x3060 ss:$0x81] =	vst.msk $0xffff, v3  }
0x11: {  	v60 =	vld [tilespmem:s19+$0x0];
	[tilespmem:s20+$0x0 ss:$0x81] =	vst.msk $0xffff, v0;
	s18 =	sadd.s32 s21, s18  }
0x12: {  	v61 =	vld [tilespmem:s19+$0x10];
	s26 =	sshll.u32 s16, $0xB;
	[tilespmem:s18+$0x3870 ss:$0x81] =	vst.msk $0xffff, v4  }
0x13: {  	v62 =	vld [tilespmem:s19+$0x20];
	s27 =	sand.u32 $0x78, s15;
	s22 =	sshll.u32 s15, $0x3;
	s29 =	sshll.u32 s16, $0x7;
	[tilespmem:s18+$0x810 ss:$0x81] =	vst.msk $0xffff, v5  }
0x14: {  	v63 =	vld [tilespmem:s19+$0xFFFFFFC0];
	s14 =	sshll.u32 s14, $0xD;
	s20 =	sand.u32 $0xC000, s26;
	s28 =	sand.u32 $0xFC00, s22;
	[tilespmem:s18+$0x1020 ss:$0x81] =	vst.msk $0xffff, v58  }
0x15: {  	s31 =	sand.u32 $0x7, s15;
	s22 =	sand.u32 $0x400, s22;
	s19 =	sadd.s32 s28, s20;
	[tilespmem:s18+$0x1830 ss:$0x81] =	vst.msk $0xffff, v59  }
0x16: {  	s16 =	sand.u32 $0x380, s29;
	s30 =	sor.u32 s27, s22;
	s19 =	sshrl.u32 s19, $0x3;
	[tilespmem:s18+$0x2040 ss:$0x81] =	vst.msk $0xffff, v60  }
0x17: {  	s14 =	sadd.s32 s4, s14;
	s16 =	sor.u32 s16, s30;
	s19 =	sand.u32 $0x1F00, s19;
	[tilespmem:s18+$0x2850 ss:$0x81] =	vst.msk $0xffff, v61  }
0x18: {  	s15 =	sshll.u32 s31, $0x12;
	s16 =	sshrl.u32 s16, $0x3;
	[tilespmem:s18+$0x3060 ss:$0x81] =	vst.msk $0xffff, v62;
	s14 =	sadd.s32 s19, s14  }
0x19: {  	s15 =	sor.u32 $0x80, s15;
	[tilespmem:s18+$0x0 ss:$0x81] =	vst.msk $0xffff, v63;
	s14 =	sadd.s32 s16, s14  }
0x1a: {  	[hbm4b:s14+s15] =	stream.strided.scatter [tilespmem:s17], [sflag:$0x2], $0x4000, s9, s15, $0x20;
	[tilespmem:$0x10100] =	vst v63  }
.LBB1_5:
0x1b: {  	s17 =	sadd.s32 $0x80, s10  }
0x1c: {  	s14 =	sadd.s32 $0x2, s11;
	s18 =	smov.u32 s11;
	p2 =	sgt.s32 s17, $0x7FF  }
0x1d: {  	s18 =	smov.u32 @p2 s14  }
0x1e: {  	s20 =	smov.u32 s12;
	s14 =	sadd.s32 $0x800, s12;
	p3 =	sgt.s32 s18, $0x1F  }
0x1f: {  	s20 =	smov.u32 @p3 s14  }
0x20: {  	s17 =	simm.s32 @p2 $0x0;
	p2 =	sgt.s32 s20, $0x7FF  }
0x21: {  	p1 =	slt.u32 s13, $0x2;
	s20 =	smov.u32 @p2 s1;
	p2 =	sne.s32 s13, s8  }
.Ltmp1:
0x22: {  	s19 =	simm.s32 @!p1 $0x2;
	(pc) =	sbr.rel @!p2 .LBB1_6-.Ltmp1, $4  }
0x23: {  	s16 =	smov.u32 s11;
	s15 =	smov.u32 s12;
	_ =	swait.ge @!p1 [sflag:s19], $0x4000  }
0x24: {  	p0 =	por !p0, !p0;
	[sflag:s19] =	ssyncset.done @!p1 $0x0;
	s18 =	smov.u32 @p3 s2  }
0x25: {  	s14 =	smov.u32 s10;
	[sflag:s19] =	ssyncadd.s32 @!p1 $0xFFFFC000;
	s10 =	smov.u32 s17  }
0x26: {  	s11 =	smov.u32 s18;
	s13 =	sadd.s32 $0x1, s13;
	s12 =	smov.u32 s20  }
.LBB1_1:
0x27: {  	p1 =	sge.u32 s13, s7;
	s31 =	sadd.s32 $0xFFFFFFFF, s13  }
0x28: {  	s17 =	sxor.u32 @!p1 $0xFFFFFFFF, s13;
	s18 =	sand.u32 @!p1 $0x78, s10;
	s19 =	sshll.u32 @!p1 s11, $0xB  }
0x29: {  	s20 =	sshll.u32 @!p1 s11, $0x7;
	s21 =	sshll.u32 @!p1 s10, $0x3;
	s17 =	sshll.u32 @!p1 s17, $0xE  }
0x2a: {  	s19 =	sand.u32 @!p1 $0xC000, s19;
	s20 =	sand.u32 @!p1 $0x380, s20;
	s17 =	sand.u32 @!p1 $0x4000, s17  }
0x2b: {  	s19 =	sadd.s32 @!p1 s19, s21;
	s21 =	sand.u32 @!p1 $0x400, s21;
	s18 =	sor.u32 @!p1 s20, s18  }
0x2c: {  	s20 =	sshll.u32 @!p1 s12, $0xD;
	s18 =	sor.u32 @!p1 s21, s18;
	s19 =	sshrl.u32 @!p1 s19, $0x3  }
0x2d: {  	s20 =	sadd.s32 @!p1 s5, s20;
	s21 =	sand.u32 @!p1 $0x7, s10;
	s19 =	sand.u32 @!p1 $0x1F00, s19  }
0x2e: {  	s18 =	sshrl.u32 @!p1 s18, $0x3;
	s19 =	sadd.s32 @!p1 s19, s20;
	s20 =	sshll.u32 @!p1 s21, $0x12  }
0x2f: {  	s18 =	sadd.s32 @!p1 s18, s19;
	s19 =	sor.u32 @!p1 $0x80, s20;
	s20 =	simm.s32 @!p1 $0x10000  }
0x30: {  	[tilespmem:s17], [sflag:$0x1] =	stream.strided.gather @!p1 [hbm4b:s18+s19], $0x4000, s20, s19, $0x38;
	[tilespmem:$0x10100] =	vst v63  }
0x31: {  	p1 =	sge.u32 s31, s7  }
.Ltmp2:
0x32: {  	_ = 	snop;
	(pc) =	sbr.rel @p1 .LBB1_5-.Ltmp2, $1  }
0x33: {  	_ =	sdelay $0x3  }
0x34: {  	s17 =	simm.s32 $0x1  }
0x35: {  	_ =	swait.ge [sflag:s6], $0x4000;
	s17 =	simm.s32 @!p0 $0x0  }
0x36: {  	[sflag:s6] =	ssyncset.done $0x0;
	s18 =	sshll.u32 s17, $0xE  }
0x37: {  	[sflag:s6] =	ssyncadd.s32 $0xFFFFC000;
	s19 =	sor.u32 $0x40, s18  }
0x38: {  	s17 =	smul.u32 $0x10200, s17;
	v0 =	vld [tilespmem:s19+$0x30]  }
0x39: {  	v3 =	vld [tilespmem:s19+$0xFFFFFFD0]  }
0x3a: {  	s17 =	sshrl.u32 s17, $0x2;
	v4 =	vld [tilespmem:s19+$0xFFFFFFE0]  }
0x3b: {  	v5 =	vld [tilespmem:s19+$0xFFFFFFF0];
	s18 =	sor.u32 $0x8000, s17  }
0x3c: {  	s31 =	sand.u32 $0x1, s13;
	v1 =	vld [tilespmem:s19+$0x0];
	s20 =	sadd.s32 $0x0, s18  }
0x3d: {  	v2 =	vld [tilespmem:s19+$0x10];
	s17 =	smul.u32 $0x10200, s31;
	[tilespmem:s20+$0x3870 ss:$0x81] =	vst.msk $0xffff, v0  }
0x3e: {  	[tilespmem:s20+$0x810 ss:$0x81] =	vst.msk $0xffff, v3;
	v3 =	vld [tilespmem:s19+$0x20]  }
0x3f: {  	s17 =	sshrl.u32 s17, $0x2;
	v0 =	vld [tilespmem:s19+$0xFFFFFFC0];
	[tilespmem:s20+$0x1020 ss:$0x81] =	vst.msk $0xffff, v4;
	s19 =	sadd.s32 $0x80, s19  }
0x40: {  	s21 =	simm.s32 $0x4;
	s22 =	simm.s32 $0x8;
	s17 =	sor.u32 $0x8000, s17;
	[tilespmem:s20+$0x1830 ss:$0x81] =	vst.msk $0xffff, v5;
	v4 =	vld [tilespmem:s19+$0x30]  }
.LBB1_3:
0x41: {  	p1 =	sne.s32 s22, $0x1FC;
	v5 =	vld [tilespmem:s19+$0xFFFFFFD0];
	[tilespmem:s20+$0x2040 ss:$0x81] =	vst.msk $0xffff, v1  }
0x42: {  	v6 =	vld [tilespmem:s19+$0xFFFFFFE0];
	[tilespmem:s20+$0x2850 ss:$0x81] =	vst.msk $0xffff, v2  }
0x43: {  	s23 =	sshra.s32 s21, $0x2;
	s21 =	smov.u32 s22;
	v7 =	vld [tilespmem:s19+$0xFFFFFFF0];
	[tilespmem:s20+$0x3060 ss:$0x81] =	vst.msk $0xffff, v3  }
.Ltmp3:
0x44: {  	v1 =	vld [tilespmem:s19+$0x0];
	[tilespmem:s20+$0x0 ss:$0x81] =	vst.msk $0xffff, v0;
	s20 =	sadd.s32 s23, s18;
	(pc) =	sbr.rel @p1 .LBB1_3-.Ltmp3, $4  }
0x45: {  	v2 =	vld [tilespmem:s19+$0x10];
	[tilespmem:s20+$0x3870 ss:$0x81] =	vst.msk $0xffff, v4  }
0x46: {  	[tilespmem:s20+$0x810 ss:$0x81] =	vst.msk $0xffff, v5;
	v3 =	vld [tilespmem:s19+$0x20]  }
0x47: {  	v0 =	vld [tilespmem:s19+$0xFFFFFFC0];
	[tilespmem:s20+$0x1020 ss:$0x81] =	vst.msk $0xffff, v6;
	s19 =	sadd.s32 $0x80, s19  }
0x48: {  	s22 =	sadd.s32 $0x4, s22;
	v4 =	vld [tilespmem:s19+$0x30];
	[tilespmem:s20+$0x1830 ss:$0x81] =	vst.msk $0xffff, v7  }
.Ltmp4:
0x49: {  	_ = 	snop;
	(pc) =	sbr.rel .LBB1_4-.Ltmp4, $1  }
0x4a: {  	_ =	sdelay $0x3  }
.LBB1_6:
0x4b: {  	_ =	sfence.sel $0x180000  }
0x4c: {  	s1 =	simm.s32 $0x1;
	[bflag:$0x0] =	sbarrier.arrive $0xFFFF  }
0x4d: {  	s31 =	simm.s32 $0x2;
	[sflag:s1] =	ssyncpa.u1 $0x1  }
0x4e: {  	[sflag:s31] =	ssyncpa.u1 $0x1  }
0x4f: {  	p0 =	sne.s32 s0, $0x0;
	_ =	strace $0x9000004A  }
0x50: {  	s0 =	sadd.s32 @!p0 $0x100000, s3;
	[bflag:$0x2] =	sbarrier.arrive $0xFFFF  }
0x51: {  	[sflag:s0] =	ssyncadd.tile.s32 @!p0 $0x1;
	_ =	shalt  }
.Lfunc_end1:
_tile_overlayer_lowered:
.L_overlay_start_2:
0x52: {  	(tag) =	ssettag $0x2  }
0x53: {  	s0 =	rddreg [dreg:$0x0];
	s2 =	stileid.u32  }
0x54: {  	s1 =	rddreg [dreg:$0x1];
	p0 =	sne.s32 s2, $0x0  }
0x55: {  	s3 =	rddreg [dreg:$0x2];
	[bflag:$0x3] =	sbarrier.arrive $0xFFFF;
	s2 =	simm.s32 @!p0 $0x1C01  }
0x56: {  	[timem:s3], [sflag:s2] =	dma.local @!p0 [hbm:s0], s1  }
0x57: {  	s0 =	simm.s32 @!p0 $0x1  }
0x58: {  	_ =	swait.ge @!p0 [sflag:s0], s1  }
0x59: {  	s1 =	ssub.s32 @!p0 $0x0, s1;
	[sflag:s0] =	ssyncset.done @!p0 $0x0  }
0x5a: {  	[sflag:s0] =	ssyncadd.s32 @!p0 s1  }
0x5b: {  	[bflag:$0x3] =	sbarrier.arrive $0xFFFF  }
0x5c: {  	_ =	shalt  }

</sc_bundles>
